<compile_context>
chip_gen: v7x
topology: tpu7x:2x2x1
jax: 0.10.2.dev20260603
libtpu: 0.0.44.dev20260713+nightly
codegen_flags: <defaults>
</compile_context>

<pallas_src>
import functools

import jax
import jax.numpy as jnp
from jax import lax
from jax.experimental import pallas as pl
from jax.experimental.pallas import tpu as pltpu
from jax.experimental.pallas import tpu_sc as plsc

N = 160000
NUM_ELEMENTS = 100
NUM_FEATURES = 64
M = 4
ROW = M * NUM_FEATURES
PK = 2 * NUM_FEATURES
NTAB = NUM_ELEMENTS * NUM_ELEMENTS

NW = 32
CHUNK = 128
CPW = 40
NPAD = NW * CHUNK * CPW

_sc_mesh = plsc.VectorSubcoreMesh(core_axis_name="c", subcore_axis_name="s")


@functools.partial(
    pl.kernel,
    out_type=jax.ShapeDtypeStruct((NPAD, PK), jnp.float32),
    mesh=_sc_mesh,
    scratch_types=[
        pltpu.VMEM_SHARED((NTAB, PK), jnp.float32),
        pltpu.VMEM((CPW, CHUNK), jnp.int32),
        pltpu.VMEM((CHUNK, PK), jnp.float32),
        pltpu.VMEM((CHUNK, PK), jnp.float32),
        pltpu.SemaphoreType.DMA,
        pltpu.SemaphoreType.DMA,
    ],
)
def _sc_gather(tab, idx, out, stab, idx_v, buf_a, buf_b, sem_a, sem_b):
    sid = lax.axis_index("s")
    wid = sid * 2 + lax.axis_index("c")
    base = wid * (CPW * CHUNK)

    slab = 624
    pltpu.sync_copy(tab.at[pl.ds(sid * slab, slab)],
                    stab.at[pl.ds(sid * slab, slab)])

    @pl.when(sid == 0)
    def _():
        pltpu.sync_copy(tab.at[pl.ds(16 * slab, NTAB - 16 * slab)],
                        stab.at[pl.ds(16 * slab, NTAB - 16 * slab)])

    pltpu.sync_copy(idx.at[wid], idx_v)
    plsc.subcore_barrier()

    pltpu.async_copy(stab.at[idx_v.at[0]], buf_a, sem_a)

    def body(t, carry):
        j0 = 2 * t
        j1 = j0 + 1
        pltpu.async_copy(stab.at[idx_v.at[j1]], buf_b, sem_b)
        pltpu.make_async_copy(stab.at[idx_v.at[j0]], buf_a, sem_a).wait()
        pltpu.sync_copy(buf_a, out.at[pl.ds(base + j0 * CHUNK, CHUNK)])

        @pl.when(t < CPW // 2 - 1)
        def _():
            pltpu.async_copy(stab.at[idx_v.at[j0 + 2]], buf_a, sem_a)

        pltpu.make_async_copy(stab.at[idx_v.at[j1]], buf_b, sem_b).wait()
        pltpu.sync_copy(buf_b, out.at[pl.ds(base + j1 * CHUNK, CHUNK)])
        return carry

    lax.fori_loop(0, CPW // 2, body, 0)


def _tc_pre(tl_ref, tw_ref, b_ref):
    b_ref[...] = tw_ref[...] * jnp.log(tl_ref[...])


def _tc_body(x_ref, d_ref, g_ref, o_ref):
    gi = lax.bitcast_convert_type(g_ref[...], jnp.int32)
    lo = lax.bitcast_convert_type(jnp.left_shift(gi, 16), jnp.float32)
    hi = lax.bitcast_convert_type(
        jnp.bitwise_and(gi, jnp.int32(-65536)), jnp.float32)
    ri = lax.broadcasted_iota(jnp.int32, (PK, PK), 0)
    ci = lax.broadcasted_iota(jnp.int32, (PK, PK), 1)
    eye = (ri == ci).astype(jnp.float32)
    lot = lax.dot_general(eye, lo, (((1,), (1,)), ((), ())),
                          preferred_element_type=jnp.float32)
    hit = lax.dot_general(eye, hi, (((1,), (1,)), ((), ())),
                          preferred_element_type=jnp.float32)
    logd = jnp.log(d_ref[...])
    s_lo = lot[0:32] * jnp.exp(-jnp.exp(lot[64:96] * logd - lot[32:64]))
    s_hi = hit[0:32] * jnp.exp(-jnp.exp(hit[64:96] * logd - hit[32:64]))
    c = s_lo.shape[1]
    upd = jnp.concatenate(
        [s_lo, s_hi, jnp.zeros((ROW - NUM_FEATURES, c), jnp.float32)], axis=0)
    o_ref[...] = x_ref[...] + upd


def _interleave(t):
    tr = t.reshape(NTAB, NUM_FEATURES)
    return jnp.stack([tr[:, :32], tr[:, 32:]], axis=-1).reshape(
        NTAB, NUM_FEATURES)


def kernel(x, d, Z_i, Z_j, exp_prefactors, exp_lengthscales, exp_powers):
    idx = Z_i.astype(jnp.int32) * NUM_ELEMENTS + Z_j.astype(jnp.int32)
    idx = jnp.concatenate([idx, jnp.zeros((NPAD - N,), jnp.int32)])
    idx3 = idx.reshape(NW, CPW, CHUNK)

    tp = exp_prefactors.reshape(NTAB, NUM_FEATURES)
    tl = exp_lengthscales.reshape(NTAB, NUM_FEATURES)
    tw = exp_powers.reshape(NTAB, NUM_FEATURES)
    btab = pl.pallas_call(
        _tc_pre,
        out_shape=jax.ShapeDtypeStruct((NTAB, NUM_FEATURES), jnp.float32),
    )(tl, tw)

    tabb = jnp.concatenate(
        [_interleave(tp), _interleave(btab), _interleave(tw),
         _interleave(tw)],
        axis=-1).astype(jnp.bfloat16)
    tab = lax.bitcast_convert_type(
        tabb.reshape(NTAB, PK, 2), jnp.float32)

    g = _sc_gather(tab, idx3)

    C = 6400
    grid = (N // C,)
    xt = x.reshape(N, ROW).T
    out_t = pl.pallas_call(
        _tc_body,
        grid=grid,
        in_specs=[
            pl.BlockSpec((ROW, C), lambda i: (0, i)),
            pl.BlockSpec((1, C), lambda i: (0, i)),
            pl.BlockSpec((C, PK), lambda i: (i, 0)),
        ],
        out_specs=pl.BlockSpec((ROW, C), lambda i: (0, i)),
        out_shape=jax.ShapeDtypeStruct((ROW, N), jnp.float32),
    )(xt, d.reshape(1, N), g)

    return out_t.T.reshape(N, 1, M, NUM_FEATURES)

# --- scband reference (transcript-rebuilt; emitter-appended) ---
"""Pipeline reference for scband-off-diagonal-scale-shift-4037269259002 (READ-ONLY COPY).

The authoritative reference and input builder live on the scoring server;
editing this copy changes nothing except your own understanding.
"""

import jax, jax.numpy as jnp
import numpy as np

N = 160000
NUM_ELEMENTS = 100
NUM_FEATURES = 64
M = 4  # (in_max_degree+1)**2 with in_max_degree=1


def setup_inputs(seed: int = 0) -> dict:
    key = jax.random.key(seed)
    ks = jax.random.split(key, 7)
    x = jax.random.normal(ks[0], (N, 1, M, NUM_FEATURES), dtype=jnp.float32)
    # distances: strictly positive to keep (d/l)**p well-defined
    d = jax.random.uniform(ks[1], (N,), dtype=jnp.float32) * 2.0 + 0.1
    Z_i = jax.random.randint(ks[2], (N,), 0, NUM_ELEMENTS, dtype=jnp.int64 if jax.config.jax_enable_x64 else jnp.int32)
    Z_j = jax.random.randint(ks[3], (N,), 0, NUM_ELEMENTS, dtype=jnp.int64 if jax.config.jax_enable_x64 else jnp.int32)
    exp_prefactors = jax.random.uniform(ks[4], (NUM_ELEMENTS, NUM_ELEMENTS, NUM_FEATURES), dtype=jnp.float32)
    exp_lengthscales = jax.random.uniform(ks[5], (NUM_ELEMENTS, NUM_ELEMENTS, NUM_FEATURES), dtype=jnp.float32) * 1.5 + 0.5
    exp_powers = jax.random.uniform(ks[6], (NUM_ELEMENTS, NUM_ELEMENTS, NUM_FEATURES), dtype=jnp.float32) * 1.5 + 0.5
    return {
        'x': x,
        'd': d,
        'Z_i': Z_i,
        'Z_j': Z_j,
        'exp_prefactors': exp_prefactors,
        'exp_lengthscales': exp_lengthscales,
        'exp_powers': exp_powers,
    }


def reference(x, d, Z_i, Z_j, exp_prefactors, exp_lengthscales, exp_powers):
    # gather element-pair parameters: [N, num_features]
    p = exp_prefactors[Z_i, Z_j]
    l = exp_lengthscales[Z_i, Z_j]
    w = exp_powers[Z_i, Z_j]
    shifts = p * jnp.exp(-(d[..., None] / l) ** w)
    # add shift onto the scalar (degree-0) channel of x
    x = x.at[..., 0, 0, :].add(shifts[..., :])
    return x


if False:  # reference __main__ guard neutralized (emitter)
    out = reference(**setup_inputs())
    print(out.shape, out.dtype)

if __name__ == "__main__":
    import jax
    _d = setup_inputs()
    print(jax.jit(kernel)(*tuple(_d.values())))

</pallas_src>

<mosaic_0001>
#map = affine_map<(d0, d1) -> (0, 0)>
#map1 = affine_map<(d0, d1) -> (0, 0, 0)>
module attributes {stable_mosaic.version = 14 : i64} {
  func.func @_sc_gather(%arg0: i32, %arg1: i32, %arg2: memref<10000x128xf32, #tpu.memory_space<hbm>>, %arg3: memref<32x40x128xi32, #tpu.memory_space<hbm>>, %arg4: memref<163840x128xf32, #tpu.memory_space<hbm>>, %arg5: memref<10000x128xf32, #tpu.memory_space<vmem_shared>>, %arg6: memref<40x128xi32, #tpu.memory_space<vmem>>, %arg7: memref<128x128xf32, #tpu.memory_space<vmem>>, %arg8: memref<128x128xf32, #tpu.memory_space<vmem>>, %arg9: memref<!tpu.dma_semaphore, #tpu.memory_space<semaphore_mem>>, %arg10: memref<!tpu.dma_semaphore, #tpu.memory_space<semaphore_mem>>) attributes {dimension_semantics = [#tpu.dimension_semantics<core_parallel>, #tpu.dimension_semantics<subcore_parallel>], iteration_bounds = array<i64: 2, 16>, scalar_prefetch = 0 : i64, scratch_operands = 6 : i64, tpu.core_type = #tpu.core_type<sc_vector_subcore>, window_params = [{transform_indices = #map}, {transform_indices = #map1}, {transform_indices = #map}]} {
    %mul3A = arith.constant 2 : i32
    %mul3A_0 = arith.muli %arg1, %mul3A : i32
    %add3A = arith.addi %mul3A_0, %arg0 : i32
    %mul3A_1 = arith.constant 5120 : i32
    %mul3A_2 = arith.muli %add3A, %mul3A_1 : i32
    %mul3A_3 = arith.constant 624 : i32
    %mul3A_4 = arith.muli %arg1, %mul3A_3 : i32
    %mul3A_5 = arith.constant 624 : i32
    %mul3A_6 = arith.muli %arg1, %mul3A_5 : i32
    "tpu.region"() ({
      %run_scoped3A = tpu.sem_alloc : memref<!tpu.dma_semaphore, #tpu.memory_space<semaphore_mem>>
      %dma_start3A_20 = arith.constant 0 : i32
      %dma_start3A_21 = tpu.memref_slice %arg5[%mul3A_6, %dma_start3A_20] : memref<10000x128xf32, #tpu.memory_space<vmem_shared>> -> memref<624x128xf32, #tpu.memory_space<vmem_shared>>
      %dma_start3A_22 = arith.constant 0 : i32
      %dma_start3A_23 = tpu.memref_slice %arg2[%mul3A_4, %dma_start3A_22] : memref<10000x128xf32, #tpu.memory_space<hbm>> -> memref<624x128xf32, #tpu.memory_space<hbm>>
      tpu.enqueue_dma source(%dma_start3A_23 : memref<624x128xf32, #tpu.memory_space<hbm>>) target(%dma_start3A_21 : memref<624x128xf32, #tpu.memory_space<vmem_shared>>) target_semaphore(%run_scoped3A : memref<!tpu.dma_semaphore, #tpu.memory_space<semaphore_mem>>)
      %dma_wait3A = arith.constant 0 : i32
      %dma_wait3A_24 = tpu.memref_slice %arg5[%mul3A_6, %dma_wait3A] : memref<10000x128xf32, #tpu.memory_space<vmem_shared>> -> memref<624x128xf32, #tpu.memory_space<vmem_shared>>
      %dma_wait3A_25 = arith.constant 0 : i32
      %dma_wait3A_26 = tpu.memref_slice %arg2[%mul3A_4, %dma_wait3A_25] : memref<10000x128xf32, #tpu.memory_space<hbm>> -> memref<624x128xf32, #tpu.memory_space<hbm>>
      tpu.wait_dma2 semaphore(%run_scoped3A : memref<!tpu.dma_semaphore, #tpu.memory_space<semaphore_mem>>) src(%dma_wait3A_26 : memref<624x128xf32, #tpu.memory_space<hbm>>) dst(%dma_wait3A_24 : memref<624x128xf32, #tpu.memory_space<vmem_shared>>)
      tpu.yield
    }) : () -> ()
    %eq3A = arith.constant 0 : i32
    %eq3A_7 = arith.cmpi eq, %arg1, %eq3A : i32
    %convert_element_type3A = arith.extui %eq3A_7 : i1 to i32
    %cond3A = arith.constant 0 : i32
    %cond3A_8 = arith.cmpi ne, %convert_element_type3A, %cond3A : i32
    scf.if %cond3A_8 {
      "tpu.region"() ({
        %run_scoped3A = tpu.sem_alloc : memref<!tpu.dma_semaphore, #tpu.memory_space<semaphore_mem>>
        %dma_start3A_20 = arith.constant 9984 : i32
        %dma_start3A_21 = arith.constant 0 : i32
        %dma_start3A_22 = tpu.memref_slice %arg5[%dma_start3A_20, %dma_start3A_21] : memref<10000x128xf32, #tpu.memory_space<vmem_shared>> -> memref<16x128xf32, #tpu.memory_space<vmem_shared>>
        %dma_start3A_23 = arith.constant 9984 : i32
        %dma_start3A_24 = arith.constant 0 : i32
        %dma_start3A_25 = tpu.memref_slice %arg2[%dma_start3A_23, %dma_start3A_24] : memref<10000x128xf32, #tpu.memory_space<hbm>> -> memref<16x128xf32, #tpu.memory_space<hbm>>
        tpu.enqueue_dma source(%dma_start3A_25 : memref<16x128xf32, #tpu.memory_space<hbm>>) target(%dma_start3A_22 : memref<16x128xf32, #tpu.memory_space<vmem_shared>>) target_semaphore(%run_scoped3A : memref<!tpu.dma_semaphore, #tpu.memory_space<semaphore_mem>>)
        %dma_wait3A = arith.constant 9984 : i32
        %dma_wait3A_26 = arith.constant 0 : i32
        %dma_wait3A_27 = tpu.memref_slice %arg5[%dma_wait3A, %dma_wait3A_26] : memref<10000x128xf32, #tpu.memory_space<vmem_shared>> -> memref<16x128xf32, #tpu.memory_space<vmem_shared>>
        %dma_wait3A_28 = arith.constant 9984 : i32
        %dma_wait3A_29 = arith.constant 0 : i32
        %dma_wait3A_30 = tpu.memref_slice %arg2[%dma_wait3A_28, %dma_wait3A_29] : memref<10000x128xf32, #tpu.memory_space<hbm>> -> memref<16x128xf32, #tpu.memory_space<hbm>>
        tpu.wait_dma2 semaphore(%run_scoped3A : memref<!tpu.dma_semaphore, #tpu.memory_space<semaphore_mem>>) src(%dma_wait3A_30 : memref<16x128xf32, #tpu.memory_space<hbm>>) dst(%dma_wait3A_27 : memref<16x128xf32, #tpu.memory_space<vmem_shared>>)
        tpu.yield
      }) : () -> ()
    } else {
    }
    "tpu.region"() ({
      %run_scoped3A = tpu.sem_alloc : memref<!tpu.dma_semaphore, #tpu.memory_space<semaphore_mem>>
      %dma_start3A_20 = arith.constant 0 : i32
      %dma_start3A_21 = arith.constant 0 : i32
      %dma_start3A_22 = tpu.memref_slice %arg3[%add3A, %dma_start3A_20, %dma_start3A_21] : memref<32x40x128xi32, #tpu.memory_space<hbm>> -> memref<1x40x128xi32, #tpu.memory_space<hbm>>
      %dma_start3A_23 = tpu.memref_squeeze %dma_start3A_22 : memref<1x40x128xi32, #tpu.memory_space<hbm>> -> memref<40x128xi32, #tpu.memory_space<hbm>>
      %dma_start3A_24 = arith.constant 0 : i32
      %dma_start3A_25 = arith.constant 0 : i32
      %dma_start3A_26 = tpu.memref_slice %arg3[%add3A, %dma_start3A_24, %dma_start3A_25] : memref<32x40x128xi32, #tpu.memory_space<hbm>> -> memref<1x40x128xi32, #tpu.memory_space<hbm>>
      %dma_start3A_27 = tpu.memref_squeeze %dma_start3A_26 : memref<1x40x128xi32, #tpu.memory_space<hbm>> -> memref<40x128xi32, #tpu.memory_space<hbm>>
      tpu.enqueue_dma source(%dma_start3A_27 : memref<40x128xi32, #tpu.memory_space<hbm>>) target(%arg6 : memref<40x128xi32, #tpu.memory_space<vmem>>) target_semaphore(%run_scoped3A : memref<!tpu.dma_semaphore, #tpu.memory_space<semaphore_mem>>)
      %dma_wait3A = arith.constant 0 : i32
      %dma_wait3A_28 = arith.constant 0 : i32
      %dma_wait3A_29 = tpu.memref_slice %arg3[%add3A, %dma_wait3A, %dma_wait3A_28] : memref<32x40x128xi32, #tpu.memory_space<hbm>> -> memref<1x40x128xi32, #tpu.memory_space<hbm>>
      %dma_wait3A_30 = tpu.memref_squeeze %dma_wait3A_29 : memref<1x40x128xi32, #tpu.memory_space<hbm>> -> memref<40x128xi32, #tpu.memory_space<hbm>>
      %dma_wait3A_31 = arith.constant 0 : i32
      %dma_wait3A_32 = arith.constant 0 : i32
      %dma_wait3A_33 = tpu.memref_slice %arg3[%add3A, %dma_wait3A_31, %dma_wait3A_32] : memref<32x40x128xi32, #tpu.memory_space<hbm>> -> memref<1x40x128xi32, #tpu.memory_space<hbm>>
      %dma_wait3A_34 = tpu.memref_squeeze %dma_wait3A_33 : memref<1x40x128xi32, #tpu.memory_space<hbm>> -> memref<40x128xi32, #tpu.memory_space<hbm>>
      tpu.wait_dma2 semaphore(%run_scoped3A : memref<!tpu.dma_semaphore, #tpu.memory_space<semaphore_mem>>) src(%dma_wait3A_34 : memref<40x128xi32, #tpu.memory_space<hbm>>) dst(%arg6 : memref<40x128xi32, #tpu.memory_space<vmem>>)
      tpu.yield
    }) : () -> ()
    %barrier3A = arith.constant 0 : index
    tpu.barrier barrier_id(%barrier3A)
    %dma_start3A = arith.constant 0 : i32
    %dma_start3A_9 = arith.constant 0 : i32
    %dma_start3A_10 = tpu.memref_slice %arg6[%dma_start3A, %dma_start3A_9] : memref<40x128xi32, #tpu.memory_space<vmem>> -> memref<1x128xi32, #tpu.memory_space<vmem>>
    %dma_start3A_11 = tpu.memref_squeeze %dma_start3A_10 : memref<1x128xi32, #tpu.memory_space<vmem>> -> memref<128xi32, #tpu.memory_space<vmem>>
    %dma_start3A_12 = arith.constant 0 : i32
    %dma_start3A_13 = arith.constant 0 : i32
    %dma_start3A_14 = tpu.memref_slice %arg5[%dma_start3A_12, %dma_start3A_13] : memref<10000x128xf32, #tpu.memory_space<vmem_shared>> -> memref<10000x128xf32, #tpu.memory_space<vmem_shared>>
    tpu.enqueue_indirect_dma source(%dma_start3A_14 : memref<10000x128xf32, #tpu.memory_space<vmem_shared>>) target(%arg7 : memref<128x128xf32, #tpu.memory_space<vmem>>) offsets(%dma_start3A_11 : memref<128xi32, #tpu.memory_space<vmem>>) semaphore(%arg9 : memref<!tpu.dma_semaphore, #tpu.memory_space<semaphore_mem>>)
    %scan3A = arith.constant 0 : i32
    %scan3A_15 = arith.constant 0 : i32
    %scan3A_16 = arith.constant 20 : i32
    %scan3A_17 = arith.addi %scan3A_15, %scan3A_16 : i32
    %scan3A_18 = arith.constant 1 : i32
    scf.for %scan3A_20 = %scan3A_15 to %scan3A_17 step %scan3A_18  : i32 {
      %mul3A_21 = arith.constant 2 : i32
      %mul3A_22 = arith.muli %mul3A_21, %scan3A_20 : i32
      %add3A_23 = arith.constant 1 : i32
      %add3A_24 = arith.addi %mul3A_22, %add3A_23 : i32
      %dma_start3A_25 = arith.constant 0 : i32
      %dma_start3A_26 = tpu.memref_slice %arg6[%add3A_24, %dma_start3A_25] : memref<40x128xi32, #tpu.memory_space<vmem>> -> memref<1x128xi32, #tpu.memory_space<vmem>>
      %dma_start3A_27 = tpu.memref_squeeze %dma_start3A_26 : memref<1x128xi32, #tpu.memory_space<vmem>> -> memref<128xi32, #tpu.memory_space<vmem>>
      %dma_start3A_28 = arith.constant 0 : i32
      %dma_start3A_29 = arith.constant 0 : i32
      %dma_start3A_30 = tpu.memref_slice %arg5[%dma_start3A_28, %dma_start3A_29] : memref<10000x128xf32, #tpu.memory_space<vmem_shared>> -> memref<10000x128xf32, #tpu.memory_space<vmem_shared>>
      tpu.enqueue_indirect_dma source(%dma_start3A_30 : memref<10000x128xf32, #tpu.memory_space<vmem_shared>>) target(%arg8 : memref<128x128xf32, #tpu.memory_space<vmem>>) offsets(%dma_start3A_27 : memref<128xi32, #tpu.memory_space<vmem>>) semaphore(%arg10 : memref<!tpu.dma_semaphore, #tpu.memory_space<semaphore_mem>>)
      %dma_wait3A = arith.constant 0 : i32
      %dma_wait3A_31 = tpu.memref_slice %arg6[%mul3A_22, %dma_wait3A] : memref<40x128xi32, #tpu.memory_space<vmem>> -> memref<1x128xi32, #tpu.memory_space<vmem>>
      %dma_wait3A_32 = tpu.memref_squeeze %dma_wait3A_31 : memref<1x128xi32, #tpu.memory_space<vmem>> -> memref<128xi32, #tpu.memory_space<vmem>>
      %dma_wait3A_33 = arith.constant 0 : i32
      %dma_wait3A_34 = arith.constant 0 : i32
      %dma_wait3A_35 = tpu.memref_slice %arg5[%dma_wait3A_33, %dma_wait3A_34] : memref<10000x128xf32, #tpu.memory_space<vmem_shared>> -> memref<10000x128xf32, #tpu.memory_space<vmem_shared>>
      tpu.wait_indirect_dma semaphore(%arg9 : memref<!tpu.dma_semaphore, #tpu.memory_space<semaphore_mem>>) src(%dma_wait3A_35 : memref<10000x128xf32, #tpu.memory_space<vmem_shared>>) dst(%arg7 : memref<128x128xf32, #tpu.memory_space<vmem>>)
      %mul3A_36 = arith.constant 128 : i32
      %mul3A_37 = arith.muli %mul3A_22, %mul3A_36 : i32
      %add3A_38 = arith.addi %mul3A_2, %mul3A_37 : i32
      "tpu.region"() ({
        %run_scoped3A = tpu.sem_alloc : memref<!tpu.dma_semaphore, #tpu.memory_space<semaphore_mem>>
        %dma_start3A_52 = arith.constant 0 : i32
        %dma_start3A_53 = tpu.memref_slice %arg4[%add3A_38, %dma_start3A_52] : memref<163840x128xf32, #tpu.memory_space<hbm>> -> memref<128x128xf32, #tpu.memory_space<hbm>>
        %dma_start3A_54 = arith.constant 0 : i32
        %dma_start3A_55 = tpu.memref_slice %arg4[%add3A_38, %dma_start3A_54] : memref<163840x128xf32, #tpu.memory_space<hbm>> -> memref<128x128xf32, #tpu.memory_space<hbm>>
        tpu.enqueue_dma source(%arg7 : memref<128x128xf32, #tpu.memory_space<vmem>>) target(%dma_start3A_55 : memref<128x128xf32, #tpu.memory_space<hbm>>) target_semaphore(%run_scoped3A : memref<!tpu.dma_semaphore, #tpu.memory_space<semaphore_mem>>)
        %dma_wait3A_56 = arith.constant 0 : i32
        %dma_wait3A_57 = tpu.memref_slice %arg4[%add3A_38, %dma_wait3A_56] : memref<163840x128xf32, #tpu.memory_space<hbm>> -> memref<128x128xf32, #tpu.memory_space<hbm>>
        %dma_wait3A_58 = arith.constant 0 : i32
        %dma_wait3A_59 = tpu.memref_slice %arg4[%add3A_38, %dma_wait3A_58] : memref<163840x128xf32, #tpu.memory_space<hbm>> -> memref<128x128xf32, #tpu.memory_space<hbm>>
        tpu.wait_dma2 semaphore(%run_scoped3A : memref<!tpu.dma_semaphore, #tpu.memory_space<semaphore_mem>>) src(%arg7 : memref<128x128xf32, #tpu.memory_space<vmem>>) dst(%dma_wait3A_59 : memref<128x128xf32, #tpu.memory_space<hbm>>)
        tpu.yield
      }) : () -> ()
      %lt3A = arith.constant 19 : i32
      %lt3A_39 = arith.cmpi slt, %scan3A_20, %lt3A : i32
      %convert_element_type3A_40 = arith.extui %lt3A_39 : i1 to i32
      %cond3A_41 = arith.constant 0 : i32
      %cond3A_42 = arith.cmpi ne, %convert_element_type3A_40, %cond3A_41 : i32
      scf.if %cond3A_42 {
        %add3A_52 = arith.constant 2 : i32
        %add3A_53 = arith.addi %mul3A_22, %add3A_52 : i32
        %dma_start3A_54 = arith.constant 0 : i32
        %dma_start3A_55 = tpu.memref_slice %arg6[%add3A_53, %dma_start3A_54] : memref<40x128xi32, #tpu.memory_space<vmem>> -> memref<1x128xi32, #tpu.memory_space<vmem>>
        %dma_start3A_56 = tpu.memref_squeeze %dma_start3A_55 : memref<1x128xi32, #tpu.memory_space<vmem>> -> memref<128xi32, #tpu.memory_space<vmem>>
        %dma_start3A_57 = arith.constant 0 : i32
        %dma_start3A_58 = arith.constant 0 : i32
        %dma_start3A_59 = tpu.memref_slice %arg5[%dma_start3A_57, %dma_start3A_58] : memref<10000x128xf32, #tpu.memory_space<vmem_shared>> -> memref<10000x128xf32, #tpu.memory_space<vmem_shared>>
        tpu.enqueue_indirect_dma source(%dma_start3A_59 : memref<10000x128xf32, #tpu.memory_space<vmem_shared>>) target(%arg7 : memref<128x128xf32, #tpu.memory_space<vmem>>) offsets(%dma_start3A_56 : memref<128xi32, #tpu.memory_space<vmem>>) semaphore(%arg9 : memref<!tpu.dma_semaphore, #tpu.memory_space<semaphore_mem>>)
      } else {
      }
      %dma_wait3A_43 = arith.constant 0 : i32
      %dma_wait3A_44 = tpu.memref_slice %arg6[%add3A_24, %dma_wait3A_43] : memref<40x128xi32, #tpu.memory_space<vmem>> -> memref<1x128xi32, #tpu.memory_space<vmem>>
      %dma_wait3A_45 = tpu.memref_squeeze %dma_wait3A_44 : memref<1x128xi32, #tpu.memory_space<vmem>> -> memref<128xi32, #tpu.memory_space<vmem>>
      %dma_wait3A_46 = arith.constant 0 : i32
      %dma_wait3A_47 = arith.constant 0 : i32
      %dma_wait3A_48 = tpu.memref_slice %arg5[%dma_wait3A_46, %dma_wait3A_47] : memref<10000x128xf32, #tpu.memory_space<vmem_shared>> -> memref<10000x128xf32, #tpu.memory_space<vmem_shared>>
      tpu.wait_indirect_dma semaphore(%arg10 : memref<!tpu.dma_semaphore, #tpu.memory_space<semaphore_mem>>) src(%dma_wait3A_48 : memref<10000x128xf32, #tpu.memory_space<vmem_shared>>) dst(%arg8 : memref<128x128xf32, #tpu.memory_space<vmem>>)
      %mul3A_49 = arith.constant 128 : i32
      %mul3A_50 = arith.muli %add3A_24, %mul3A_49 : i32
      %add3A_51 = arith.addi %mul3A_2, %mul3A_50 : i32
      "tpu.region"() ({
        %run_scoped3A = tpu.sem_alloc : memref<!tpu.dma_semaphore, #tpu.memory_space<semaphore_mem>>
        %dma_start3A_52 = arith.constant 0 : i32
        %dma_start3A_53 = tpu.memref_slice %arg4[%add3A_51, %dma_start3A_52] : memref<163840x128xf32, #tpu.memory_space<hbm>> -> memref<128x128xf32, #tpu.memory_space<hbm>>
        %dma_start3A_54 = arith.constant 0 : i32
        %dma_start3A_55 = tpu.memref_slice %arg4[%add3A_51, %dma_start3A_54] : memref<163840x128xf32, #tpu.memory_space<hbm>> -> memref<128x128xf32, #tpu.memory_space<hbm>>
        tpu.enqueue_dma source(%arg8 : memref<128x128xf32, #tpu.memory_space<vmem>>) target(%dma_start3A_55 : memref<128x128xf32, #tpu.memory_space<hbm>>) target_semaphore(%run_scoped3A : memref<!tpu.dma_semaphore, #tpu.memory_space<semaphore_mem>>)
        %dma_wait3A_56 = arith.constant 0 : i32
        %dma_wait3A_57 = tpu.memref_slice %arg4[%add3A_51, %dma_wait3A_56] : memref<163840x128xf32, #tpu.memory_space<hbm>> -> memref<128x128xf32, #tpu.memory_space<hbm>>
        %dma_wait3A_58 = arith.constant 0 : i32
        %dma_wait3A_59 = tpu.memref_slice %arg4[%add3A_51, %dma_wait3A_58] : memref<163840x128xf32, #tpu.memory_space<hbm>> -> memref<128x128xf32, #tpu.memory_space<hbm>>
        tpu.wait_dma2 semaphore(%run_scoped3A : memref<!tpu.dma_semaphore, #tpu.memory_space<semaphore_mem>>) src(%arg8 : memref<128x128xf32, #tpu.memory_space<vmem>>) dst(%dma_wait3A_59 : memref<128x128xf32, #tpu.memory_space<hbm>>)
        tpu.yield
      }) : () -> ()
    }
    %scan3A_19 = arith.constant 20 : i32
    return
  }
}

module attributes {stable_mosaic.version = 14 : i64} {
  func.func @_tc_pre(%arg0: memref<10000x64xf32, #tpu.memory_space<vmem>>, %arg1: memref<10000x64xf32, #tpu.memory_space<vmem>>, %arg2: memref<10000x64xf32, #tpu.memory_space<vmem>>) attributes {dimension_semantics = [], scalar_prefetch = 0 : i64, scratch_operands = 0 : i64, tpu.core_type = #tpu.core_type<tc>} {
    %get3A = arith.constant 0 : index
    %get3A_0 = arith.constant 0 : index
    %get3A_1 = vector.load %arg1[%get3A, %get3A_0] : memref<10000x64xf32, #tpu.memory_space<vmem>>, vector<10000x64xf32>
    %get3A_2 = arith.constant 0 : index
    %get3A_3 = arith.constant 0 : index
    %get3A_4 = vector.load %arg0[%get3A_2, %get3A_3] : memref<10000x64xf32, #tpu.memory_space<vmem>>, vector<10000x64xf32>
    %log3A = math.log %get3A_4 : vector<10000x64xf32>
    %mul3A = arith.mulf %get3A_1, %log3A : vector<10000x64xf32>
    %swap3A = arith.constant 0 : index
    %swap3A_5 = arith.constant 0 : index
    %swap3A_6 = vector.load %arg2[%swap3A, %swap3A_5] : memref<10000x64xf32, #tpu.memory_space<vmem>>, vector<10000x64xf32>
    tpu.vector_store %arg2[%swap3A, %swap3A_5], %mul3A {strides = array<i32>} : memref<10000x64xf32, #tpu.memory_space<vmem>>, vector<10000x64xf32>,
    return
  }
}

module attributes {stable_mosaic.version = 14 : i64} {
  func.func @_tc_body(%arg0: i32, %arg1: memref<256x6400xf32, #tpu.memory_space<vmem>>, %arg2: memref<1x6400xf32, #tpu.memory_space<vmem>>, %arg3: memref<6400x128xf32, #tpu.memory_space<vmem>>, %arg4: memref<256x6400xf32, #tpu.memory_space<vmem>>) attributes {dimension_semantics = [#tpu.dimension_semantics<arbitrary>], iteration_bounds = array<i64: 25>, scalar_prefetch = 0 : i64, scratch_operands = 0 : i64, tpu.core_type = #tpu.core_type<tc>, window_params = [{transform_indices = @transform_0, window_bounds = array<i64: 256, 6400>}, {transform_indices = @transform_1, window_bounds = array<i64: 1, 6400>}, {transform_indices = @transform_2, window_bounds = array<i64: 6400, 128>}, {transform_indices = @transform_3, window_bounds = array<i64: 256, 6400>}]} {
    %get3A = arith.constant 0 : index
    %get3A_0 = arith.constant 0 : index
    %get3A_1 = vector.load %arg3[%get3A, %get3A_0] : memref<6400x128xf32, #tpu.memory_space<vmem>>, vector<6400x128xf32>
    %bitcast_convert_type3A = tpu.bitcast %get3A_1 : vector<6400x128xf32> -> vector<6400x128xi32>
    %shift_left3A = arith.constant 16 : i32
    %shift_left3A_2 = vector.broadcast %shift_left3A : i32 to vector<6400x128xi32>
    %shift_left3A_3 = arith.shli %bitcast_convert_type3A, %shift_left3A_2 : vector<6400x128xi32>
    %bitcast_convert_type3A_4 = tpu.bitcast %shift_left3A_3 : vector<6400x128xi32> -> vector<6400x128xf32>
    %and3A = arith.constant -65536 : i32
    %and3A_5 = vector.broadcast %and3A : i32 to vector<6400x128xi32>
    %and3A_6 = arith.andi %bitcast_convert_type3A, %and3A_5 : vector<6400x128xi32>
    %bitcast_convert_type3A_7 = tpu.bitcast %and3A_6 : vector<6400x128xi32> -> vector<6400x128xf32>
    %iota3A = tpu.iota {dimensions = array<i32: 0>} : vector<128x128xi32>
    %iota3A_8 = tpu.iota {dimensions = array<i32: 1>} : vector<128x128xi32>
    %eq3A = arith.cmpi eq, %iota3A, %iota3A_8 : vector<128x128xi32>
    %convert_element_type3A = arith.extui %eq3A : vector<128x128xi1> to vector<128x128xi32>
    %convert_element_type3A_9 = arith.sitofp %convert_element_type3A : vector<128x128xi32> to vector<128x128xf32>
    %dot_general3A = arith.constant dense<0.000000e+00> : vector<128x6400xf32>
    %dot_general3A_10 = tpu.matmul %convert_element_type3A_9, %bitcast_convert_type3A_4, %dot_general3A {dimension_numbers = #tpu.dot_dimension_numbers<[1], [1], [0], [0], [0, 0, 1, 0], [], []>, transpose_lhs_hint = false} : vector<128x128xf32>, vector<6400x128xf32>, vector<128x6400xf32> -> vector<128x6400xf32>
    %dot_general3A_11 = arith.constant dense<0.000000e+00> : vector<128x6400xf32>
    %dot_general3A_12 = tpu.matmul %convert_element_type3A_9, %bitcast_convert_type3A_7, %dot_general3A_11 {dimension_numbers = #tpu.dot_dimension_numbers<[1], [1], [0], [0], [0, 0, 1, 0], [], []>, transpose_lhs_hint = false} : vector<128x128xf32>, vector<6400x128xf32>, vector<128x6400xf32> -> vector<128x6400xf32>
    %get3A_13 = arith.constant 0 : index
    %get3A_14 = arith.constant 0 : index
    %get3A_15 = vector.load %arg2[%get3A_13, %get3A_14] : memref<1x6400xf32, #tpu.memory_space<vmem>>, vector<1x6400xf32>
    %log3A = math.log %get3A_15 : vector<1x6400xf32>
    %slice3A = vector.extract_strided_slice %dot_general3A_10 {offsets = [0, 0], sizes = [32, 6400], strides = [1, 1]} : vector<128x6400xf32> to vector<32x6400xf32>
    %slice3A_16 = vector.extract_strided_slice %dot_general3A_10 {offsets = [64, 0], sizes = [32, 6400], strides = [1, 1]} : vector<128x6400xf32> to vector<32x6400xf32>
    %mul3A = vector.broadcast %log3A : vector<1x6400xf32> to vector<32x6400xf32>
    %mul3A_17 = arith.mulf %slice3A_16, %mul3A : vector<32x6400xf32>
    %slice3A_18 = vector.extract_strided_slice %dot_general3A_10 {offsets = [32, 0], sizes = [32, 6400], strides = [1, 1]} : vector<128x6400xf32> to vector<32x6400xf32>
    %sub3A = arith.subf %mul3A_17, %slice3A_18 : vector<32x6400xf32>
    %exp3A = math.exp %sub3A : vector<32x6400xf32>
    %neg3A = arith.constant 0.000000e+00 : f32
    %neg3A_19 = vector.broadcast %neg3A : f32 to vector<32x6400xf32>
    %neg3A_20 = arith.subf %neg3A_19, %exp3A : vector<32x6400xf32>
    %exp3A_21 = math.exp %neg3A_20 : vector<32x6400xf32>
    %mul3A_22 = arith.mulf %slice3A, %exp3A_21 : vector<32x6400xf32>
    %slice3A_23 = vector.extract_strided_slice %dot_general3A_12 {offsets = [0, 0], sizes = [32, 6400], strides = [1, 1]} : vector<128x6400xf32> to vector<32x6400xf32>
    %slice3A_24 = vector.extract_strided_slice %dot_general3A_12 {offsets = [64, 0], sizes = [32, 6400], strides = [1, 1]} : vector<128x6400xf32> to vector<32x6400xf32>
    %mul3A_25 = vector.broadcast %log3A : vector<1x6400xf32> to vector<32x6400xf32>
    %mul3A_26 = arith.mulf %slice3A_24, %mul3A_25 : vector<32x6400xf32>
    %slice3A_27 = vector.extract_strided_slice %dot_general3A_12 {offsets = [32, 0], sizes = [32, 6400], strides = [1, 1]} : vector<128x6400xf32> to vector<32x6400xf32>
    %sub3A_28 = arith.subf %mul3A_26, %slice3A_27 : vector<32x6400xf32>
    %exp3A_29 = math.exp %sub3A_28 : vector<32x6400xf32>
    %neg3A_30 = arith.constant 0.000000e+00 : f32
    %neg3A_31 = vector.broadcast %neg3A_30 : f32 to vector<32x6400xf32>
    %neg3A_32 = arith.subf %neg3A_31, %exp3A_29 : vector<32x6400xf32>
    %exp3A_33 = math.exp %neg3A_32 : vector<32x6400xf32>
    %mul3A_34 = arith.mulf %slice3A_23, %exp3A_33 : vector<32x6400xf32>
    %broadcast_in_dim3A = arith.constant 0.000000e+00 : f32
    %broadcast_in_dim3A_35 = vector.broadcast %broadcast_in_dim3A : f32 to vector<192x6400xf32>
    %concatenate3A = tpu.concatenate %mul3A_22, %mul3A_34, %broadcast_in_dim3A_35 in 0 : vector<32x6400xf32>, vector<32x6400xf32>, vector<192x6400xf32> -> vector<256x6400xf32>
    %get3A_36 = arith.constant 0 : index
    %get3A_37 = arith.constant 0 : index
    %get3A_38 = vector.load %arg1[%get3A_36, %get3A_37] : memref<256x6400xf32, #tpu.memory_space<vmem>>, vector<256x6400xf32>
    %add3A = arith.addf %get3A_38, %concatenate3A : vector<256x6400xf32>
    %swap3A = arith.constant 0 : index
    %swap3A_39 = arith.constant 0 : index
    %swap3A_40 = vector.load %arg4[%swap3A, %swap3A_39] : memref<256x6400xf32, #tpu.memory_space<vmem>>, vector<256x6400xf32>
    tpu.vector_store %arg4[%swap3A, %swap3A_39], %add3A {strides = array<i32>} : memref<256x6400xf32, #tpu.memory_space<vmem>>, vector<256x6400xf32>,
    return
  }
  func.func @transform_0(%arg0: i32) -> (i32, i32) {
    %c0_i32 = arith.constant 0 : i32
    %c0_i32_0 = arith.constant 0 : i32
    return %c0_i32, %arg0 : i32, i32
  }
  func.func @transform_1(%arg0: i32) -> (i32, i32) {
    %c0_i32 = arith.constant 0 : i32
    %c0_i32_0 = arith.constant 0 : i32
    return %c0_i32, %arg0 : i32, i32
  }
  func.func @transform_2(%arg0: i32) -> (i32, i32) {
    %c0_i32 = arith.constant 0 : i32
    %c0_i32_0 = arith.constant 0 : i32
    return %arg0, %c0_i32 : i32, i32
  }
  func.func @transform_3(%arg0: i32) -> (i32, i32) {
    %c0_i32 = arith.constant 0 : i32
    %c0_i32_0 = arith.constant 0 : i32
    return %c0_i32, %arg0 : i32, i32
  }
}

</mosaic_0001>

<sc_bundles>
// kernel: kernel.5.cloned.1.call-start
scs
__scs_entry_jumppad:
0x0: {  	(pc) =	sbr.rel $0x88, $3  }
0x1: {  	(tag) =	ssettag $0x0;
	lr =	simm.s32 $0x1  }
0x2: {  	[smem:$0x3F9A] =	sst lr;
	_ =	strace $0xD0000000  }
0x3: {  	_ = 	snop  }
0x4: {  	_ = 	snop  }
0x5: {  	_ = 	snop  }
0x6: {  	_ = 	snop  }
0x7: {  	_ = 	snop  }
__scs_overlays_trampoline_lowered:
0x8: {  	[smem:$0x3FA9] =	sst s0  }
0x9: {  	[smem:$0x3FAA] =	sst s1  }
0xa: {  	[smem:$0x3FAB] =	sst s2  }
0xb: {  	[smem:$0x3FAC] =	sst s3  }
0xc: {  	[smem:$0x3FAD] =	sst s4  }
0xd: {  	[smem:$0x3FAE] =	sst s5  }
0xe: {  	[smem:$0x3FAF] =	sst s6  }
0xf: {  	[smem:$0x3FB0] =	sst s7  }
0x10: {  	[smem:$0x3FB1] =	sst s8  }
0x11: {  	[smem:$0x3FB2] =	sst s9;
	s0 =	simm.s32 @!p0 $0x0  }
0x12: {  	s1 =	sld [smem:$0x3F98];
	s0 =	simm.s32 @p0 $0x1  }
0x13: {  	[smem:$0x3FB3] =	sst s0;
	s0 =	simm.s32 @!p1 $0x0  }
0x14: {  	s2 =	sld [smem:$0x3F97];
	s0 =	simm.s32 @p1 $0x1  }
0x15: {  	[smem:$0x3FB4] =	sst s0;
	s0 =	simm.s32 @!p2 $0x0  }
0x16: {  	s3 =	sld [smem:$0x3FDB];
	s0 =	simm.s32 @p2 $0x1  }
0x17: {  	s4 =	simm.s32 $0x1BF5;
	[smem:$0x3FB6] =	sst s0  }
0x18: {  	s0 =	sld [smem:$0x3F99];
	_ =	swait.ge [sflag:s4], $0x0  }
0x19: {  	s7 =	sld [smem:$0x3F9A]  }
0x1a: {  	s8 =	sadd.s32 $0xFFFFE003, lr  }
0x1b: {  	s9 =	sadd.s32 $0xFFFFFEF7, lr;
	s5 =	simm.s32 $0xFFFFFFFF;
	p2 =	slt.u32 s8, $0xFFFFF086  }
0x1c: {  	p1 =	slt.u32 s9, $0xF7A;
	s5 =	simm.s32 @!p2 $0x0  }
0x1d: {  	s5 =	simm.s32 @p1 $0x1;
	p0 =	seq.s32 s7, s2  }
0x1e: {  	s7 =	smul.u32 @!p0 $0xF7A, s2;
	p2 =	seq.s32 @!p0 s5, $0x0  }
0x1f: {  	s9 =	smul.u32 $0xF7A, s1;
	s8 =	simm.s32 @!p0 $0x1BF5;
	p2 =	por !p2, p0  }
0x20: {  	[sflag:s8] =	ssyncset.s32 @!p0 $0xFFFFF086;
	s6 =	sadd.s32 @!p0 s3, s7;
	s7 =	simm.s32 @!p0 $0x108  }
0x21: {  	s3 =	sadd.s32 s3, s9;
	s6 =	sadd.s32 @!p0 $0x88, s6;
	s7 =	simm.s32 @p2 $0x1082  }
0x22: {  	[simem:s7], [sflag:s8] =	dma.local @!p0 [hbm:s6], $0xF7A  }
0x23: {  	s9 =	sor.u32 $0xD0000000, s2;
	s6 =	simm.s32 $0x108;
	_ =	swait.ge @!p0 [sflag:s8], $0x0  }
0x24: {  	s3 =	sadd.s32 $0x88, s3;
	s6 =	simm.s32 @!p1 $0x1082;
	[sflag:s4] =	ssyncset.s32 $0xFFFFF086  }
0x25: {  	[simem:s6], [sflag:s4] =	dma.local [hbm:s3], $0xF7A  }
0x26: {  	[smem:$0x3F9A] =	sst s1;
	(tag) =	ssettag s2;
	_ =	strace s9  }
0x27: {  	s1 =	sld [smem:$0x3FAA]  }
0x28: {  	s2 =	sld [smem:$0x3FAB]  }
0x29: {  	s4 =	sld [smem:$0x3FAD]  }
0x2a: {  	p0 =	seq.s32 s5, $0x0;
	s5 =	sld [smem:$0x3FAE]  }
0x2b: {  	s6 =	sld [smem:$0x3FAF]  }
0x2c: {  	s7 =	sld [smem:$0x3FB0]  }
0x2d: {  	s3 =	simm.s32 $0x108;
	s8 =	sld [smem:$0x3FB1]  }
0x2e: {  	s3 =	simm.s32 @!p0 $0x1082;
	s9 =	sld [smem:$0x3FB2]  }
0x2f: {  	lr =	sadd.s32 s0, s3;
	s0 =	sld [smem:$0x3FA9]  }
0x30: {  	s3 =	sld [smem:$0x3FAC]  }
0x31: {  	[smem:$0x3FB5] =	sst s10  }
0x32: {  	s10 =	sld [smem:$0x3FB3];
	_ =	sdelay $0x3  }
0x33: {  	p0 =	seq.s32 s10, $0x1;
	s10 =	sld [smem:$0x3FB5];
	_ =	sdelay $0x3  }
0x34: {  	[smem:$0x3FB5] =	sst s10  }
0x35: {  	s10 =	sld [smem:$0x3FB4];
	_ =	sdelay $0x3  }
0x36: {  	p1 =	seq.s32 s10, $0x1;
	s10 =	sld [smem:$0x3FB5];
	_ =	sdelay $0x3  }
0x37: {  	[smem:$0x3FB5] =	sst s10  }
0x38: {  	s10 =	sld [smem:$0x3FB6]  }
0x39: {  	_ = 	snop;
	(pc) =	sbr.ind lr, $3  }
0x3a: {  	_ = 	snop  }
0x3b: {  	_ = 	snop  }
0x3c: {  	p2 =	seq.s32 s10, $0x1;
	s10 =	sld [smem:$0x3FB5]  }
0x3d: {  	_ =	shalt  }
0x3e: {  	_ =	shalt  }
0x3f: {  	_ =	shalt  }
0x40: {  	_ =	shalt  }
0x41: {  	_ =	shalt  }
0x42: {  	_ =	shalt  }
0x43: {  	_ =	shalt  }
0x44: {  	_ =	shalt  }
0x45: {  	_ =	shalt  }
0x46: {  	_ =	shalt  }
0x47: {  	_ =	shalt  }
0x48: {  	_ =	shalt  }
0x49: {  	_ =	shalt  }
0x4a: {  	_ =	shalt  }
0x4b: {  	_ =	shalt  }
0x4c: {  	_ =	shalt  }
0x4d: {  	_ =	shalt  }
0x4e: {  	_ =	shalt  }
0x4f: {  	_ =	shalt  }
0x50: {  	_ =	shalt  }
0x51: {  	_ =	shalt  }
0x52: {  	_ =	shalt  }
0x53: {  	_ =	shalt  }
0x54: {  	_ =	shalt  }
0x55: {  	_ =	shalt  }
0x56: {  	_ =	shalt  }
0x57: {  	_ =	shalt  }
0x58: {  	_ =	shalt  }
0x59: {  	_ =	shalt  }
0x5a: {  	_ =	shalt  }
0x5b: {  	_ =	shalt  }
0x5c: {  	_ =	shalt  }
0x5d: {  	_ =	shalt  }
0x5e: {  	_ =	shalt  }
0x5f: {  	_ =	shalt  }
0x60: {  	_ =	shalt  }
0x61: {  	_ =	shalt  }
0x62: {  	_ =	shalt  }
0x63: {  	_ =	shalt  }
0x64: {  	_ =	shalt  }
0x65: {  	_ =	shalt  }
0x66: {  	_ =	shalt  }
0x67: {  	_ =	shalt  }
0x68: {  	_ =	shalt  }
0x69: {  	_ =	shalt  }
0x6a: {  	_ =	shalt  }
0x6b: {  	_ =	shalt  }
0x6c: {  	_ =	shalt  }
0x6d: {  	_ =	shalt  }
0x6e: {  	_ =	shalt  }
0x6f: {  	_ =	shalt  }
0x70: {  	_ =	shalt  }
0x71: {  	_ =	shalt  }
0x72: {  	_ =	shalt  }
0x73: {  	_ =	shalt  }
0x74: {  	_ =	shalt  }
0x75: {  	_ =	shalt  }
0x76: {  	_ =	shalt  }
0x77: {  	_ =	shalt  }
0x78: {  	_ =	shalt  }
0x79: {  	_ =	shalt  }
0x7a: {  	_ =	shalt  }
0x7b: {  	_ =	shalt  }
0x7c: {  	_ =	shalt  }
0x7d: {  	_ =	shalt  }
0x7e: {  	_ =	shalt  }
0x7f: {  	_ =	shalt  }
0x80: {  	_ =	shalt  }
0x81: {  	_ =	shalt  }
0x82: {  	_ =	shalt  }
0x83: {  	_ =	shalt  }
0x84: {  	_ =	shalt  }
0x85: {  	_ =	shalt  }
0x86: {  	_ =	shalt  }
0x87: {  	_ =	shalt  }
.Lfunc_end0:
.L_simem_size_0:
called_computation_lowered:
.L_overlay_start_0:
0x88: {  	s2 =	sld [smem:$0x3FD9]  }
0x89: {  	s3 =	sld [smem:$0x3FFE];
	_ =	sdelay $0x1  }
0x8a: {  	s1 =	srdreg.scid  }
0x8b: {  	s0 =	sand.u32 $0x1, s1  }
0x8c: {  	s17 =	sshll.u32 s0, $0xA;
	s2 =	sadd.s32 s3, s2  }
0x8d: {  	s2 =	sadd.s32 s2, s17  }
0x8e: {  	[smem:$0x3FC1] =	sst s2  }
0x8f: {  	_ = 	snop  }
0x90: {  	s2 =	sld [smem:$0x3FD0];
	(tm) =	ssettm $0x1  }
0x91: {  	s18 =	sld [smem:$0x3FFB];
	_ =	sdelay $0x3  }
0x92: {  	_ =	strace s18  }
0x93: {  	s3 =	sld [smem:$0x3FFC];
	_ =	sdelay $0x3  }
0x94: {  	_ =	strace s3  }
0x95: {  	s3 =	sld [smem:$0x3FFD];
	_ =	sdelay $0x3  }
0x96: {  	_ =	strace s3  }
0x97: {  	_ =	strace $0x8FFFFFFF  }
0x98: {  	s19 =	sld [smem:$0x3FDB];
	_ =	sdelay $0x1  }
0x99: {  	s4 =	simm.s32 $_scs_section_size  }
0x9a: {  	s5 =	simm.s32 $_size__tile_overlayer_lowered;
	s6 =	simm.s32 $_tile_overlayer_lowered  }
0x9b: {  	s22 =	simm.s32 $0x1BFF;
	s21 =	sshll.u32 s6, $0x1;
	s3 =	sadd.s32 s4, s19  }
0x9c: {  	s7 =	simm.s32 $0x0;
	s20 =	sshll.u32 s5, $0x1;
	s5 =	sadd.s32 s21, s3  }
0x9d: {  	[timem:s7], [sflag:s22] =	dma.local [hbm:s5], s20  }
0x9e: {  	_ =	swait.ge [sflag:s22], s20  }
0x9f: {  	s4 =	ssub.s32 $0x0, s20;
	[sflag:s22] =	ssyncset.done $0x0  }
0xa0: {  	[sflag:s22] =	ssyncadd.s32 s4;
	_ =	sdelay $0x1  }
0xa1: {  	s23 =	simm.s32 $0x1B8B  }
0xa2: {  	_ =	swait.ge [sflag:s23], $0x1  }
0xa3: {  	[sflag:s23] =	ssyncset.done $0x0  }
0xa4: {  	s25 =	simm.s32 $0x1B8E;
	s24 =	sld [smem:$0x3FFE];
	[sflag:s23] =	ssyncadd.s32 $0xFFFFFFFF  }
0xa5: {  	s26 =	simm.s32 $execute0_lowered;
	[smem:$0x3FD2] =	sst s25  }
0xa6: {  	s5 =	sshll.u32 s26, $0x1;
	_ =	strace $0x80000046;
	[dreg:$0x1] =	wrdreg $0xFFFFFFFF  }
0xa7: {  	s28 =	simm.s32 $_size_execute0_lowered;
	s3 =	sadd.s32 s3, s5;
	[dreg:$0x0] =	wrdreg $0x0  }
0xa8: {  	s5 =	sshll.u32 s28, $0x1;
	[dreg:$0x2] =	wrdreg s3  }
0xa9: {  	[dreg:$0x3] =	wrdreg s5  }
0xaa: {  	[dreg:$0x4] =	wrdreg $0xC0  }
0xab: {  	_ =	task [dreg:s7], $0x5FFFF  }
0xac: {  	[dreg:$0x1] =	wrdreg $0xFFFFFFFF  }
0xad: {  	[dreg:$0x0] =	wrdreg $0x60  }
0xae: {  	[dreg:$0x2] =	wrdreg s2  }
0xaf: {  	[dreg:$0x3] =	wrdreg s24  }
0xb0: {  	[dreg:$0x4] =	wrdreg $0x0  }
0xb1: {  	[dreg:$0x5] =	wrdreg $0x9  }
0xb2: {  	_ =	task.clear_ibuf [dreg:s7], $0x6FFFF;
	_ =	strace $0x90000046  }
0xb3: {  	s29 =	simm.s32 $0x9;
	_ =	strace $0x80000048  }
0xb4: {  	_ =	swait.ge [sflag:s29], $0x1  }
0xb5: {  	[sflag:s29] =	ssyncadd.s32 $0xFFFFFFFF  }
0xb6: {  	_ =	strace $0x90000048  }
0xb7: {  	_ =	sfence  }
0xb8: {  	s30 =	sld [smem:$0x0];
	_ =	sdelay $0x2  }
0xb9: {  	s31 =	sshll.u32 s1, $0xD;
	s1 =	sshrl.u32 s1, $0x2  }
0xba: {  	s3 =	sand.u32 $0x4000, s31;
	s1 =	sadd.s32 s1, s30  }
0xbb: {  	s0 =	sor.u32 s3, s0;
	s1 =	sshll.u32 s1, $0x11  }
0xbc: {  	s0 =	sor.u32 s1, s0  }
0xbd: {  	s0 =	sadd.s32 $0x8F2B, s0  }
0xbe: {  	[sflag:s0] =	ssyncadd.remote.s32 $0x1  }
0xbf: {  	_ =	sfence.sel $0xFFFF  }
0xc0: {  	[dreg:$0x0] =	wrdreg $0xFFFFFFFF;
	(pc) =	sbr.abs _section_cstart, $3  }
0xc1: {  	[dreg:$0x1] =	wrdreg $0xFFFFFFFF  }
0xc2: {  	_ =	task.clear_ibuf [dreg:s7], $0x2FFFF;
	_ =	strace $0x9FFFFFFF  }
0xc3: {  	(tm) =	ssettm $0x7FFFFFFF  }
tec
execute0_lowered:
.L_overlay_start_1:
0x0: {  	(tag) =	ssettag $0x1  }
0x1: {  	s5 =	rddreg [dreg:$0x0]  }
0x2: {  	s0 =	srdreg.scid;
	s3 =	rddreg [dreg:$0x1]  }
0x3: {  	s12 =	stileid.u32;
	s1 =	rddreg [dreg:$0x2]  }
0x4: {  	s2 =	simm.s32 $0x0;
	s19 =	simm.s32 $0x1;
	s9 =	smul.u32 $0x4E000, s12  }
0x5: {  	s20 =	simm.s32 $0x2;
	s21 =	simm.s32 $0x14C00;
	s11 =	smul.u32 $0x2700, s12  }
0x6: {  	s22 =	simm.s32 $0x0;
	s8 =	sand.u32 $0x1, s0;
	s29 =	smul.u32 $0x140000, s12  }
0x7: {  	s24 =	sshll.u32 s12, $0x1;
	s0 =	rddreg [dreg:$0x3];
	s17 =	smul.u32 $0x28000, s12  }
0x8: {  	[smem:$0x7FF] =	sst s2;
	s10 =	sadd.s32 $0x6000, s3;
	s16 =	smul.u32 $0xA0000, s8  }
0x9: {  	s14 =	sshll.u32 s12, $0x6;
	s4 =	sor.u32 s8, s24;
	s18 =	smul.u32 $0x14000, s8  }
0xa: {  	p0 =	sne.s32 s12, $0x0;
	s7 =	ssub.s32 $0x2, s8;
	s6 =	smul.u32 $0x1400, s4  }
0xb: {  	_ =	strace $0x80000047;
	s25 =	sshrl.u32 s7, $0x1;
	s28 =	smul.u32 $0xA0000, s4  }
0xc: {  	s26 =	sshrl.u32 s9, $0x2;
	s15 =	smul.u32 $0x14000, s4;
	s4 =	sor.u32 $0x1C03, s14  }
0xd: {  	s14 =	sadd.s32 $0x138000, s1;
	s31 =	sadd.s32 s17, s10;
	s17 =	simm.s32 $0x14C80  }
0xe: {  	s7 =	ssub.s32 s7, s25;
	s13 =	sadd.s32 s26, s1;
	s30 =	sadd.s32 s16, s29  }
0xf: {  	s14 =	sshrl.u32 @!p0 s14, $0x3;
	s6 =	sshrl.u32 s6, $0x3;
	s9 =	sshrl.u32 s28, $0x3  }
0x10: {  	s7 =	smax.u32 s7, $0x1;
	s15 =	sadd.s32 s10, s15;
	s16 =	sshrl.u32 s30, $0x3  }
0x11: {  	s12 =	sshrl.u32 s13, $0x3;
	s13 =	simm.s32 $0x3;
	s6 =	sadd.s32 s6, s3  }
0x12: {  	s3 =	sadd.s32 s5, s11;
	s5 =	sadd.s32 $0x27000, s5;
	s9 =	sadd.s32 s10, s9  }
0x13: {  	s11 =	sadd.s32 s18, s31;
	s10 =	sadd.s32 s16, s10;
	s16 =	simm.s32 $0x80  }
0x14: {  	s18 =	simm.s32 $0x18C80;
	s6 =	sadd.s32 $0x1000, s6;
	s8 =	sadd.s32 $0x13000, s9  }
0x15: {  	s9 =	sadd.s32 $0x13800, s15;
	s11 =	sadd.s32 $0x800, s11;
	s15 =	simm.s32 $0x13880  }
.LBB2_1:
0x16: {  	[spmem:s12], [sflag:s4] =	dma.local [hbm:s3], $0x2700  }
0x17: {  	_ =	swait.ge [sflag:s13], $0x2700  }
0x18: {  	[sflag:s13] =	ssyncset.done $0x0  }
0x19: {  	s23 =	simm.s32 @!p0 $0x3;
	[sflag:s13] =	ssyncadd.s32 $0xFFFFD900  }
0x1a: {  	[spmem:s14], [sflag:s4] =	dma.local @!p0 [hbm:s5], $0x100  }
0x1b: {  	_ =	swait.ge @!p0 [sflag:s23], $0x100  }
0x1c: {  	[sflag:s23] =	ssyncset.done @!p0 $0x0  }
0x1d: {  	[sflag:s23] =	ssyncadd.s32 @!p0 $0xFFFFFF00  }
0x1e: {  	[tilespmem:s15], [sflag:$0x3] =	stream.linear.gather [hbm4b:s6+s2], $0x1400, $0x38;
	[tilespmem:$0x1CC80] =	vst v63  }
0x1f: {  	_ =	swait.ge [sflag:s13], $0x1400  }
0x20: {  	[sflag:s13] =	ssyncset.done $0x0  }
0x21: {  	[sflag:s13] =	ssyncadd.s32 $0xFFFFEC00  }
0x22: {  	[bflag:$0x0] =	sbarrier.arrive $0xFFFF  }
0x23: {  	[tilespmem:s17], [sflag:$0x1] =	stream.indirect.gather [spmem:s1], $0x80, s15, s16, $0xb8;
	[tilespmem:$0x1CC80] =	vst v63  }
0x24: {  	s23 =	simm.s32 $0x13900  }
0x25: {  	[tilespmem:s18], [sflag:$0x2] =	stream.indirect.gather [spmem:s1], $0x80, s23, s16, $0xb8;
	[tilespmem:$0x1CC80] =	vst v63  }
0x26: {  	_ =	swait.ge [sflag:s19], $0x4000  }
0x27: {  	[sflag:s19] =	ssyncset.done $0x0  }
0x28: {  	s24 =	sadd.s32 $0x0, s10;
	[sflag:s19] =	ssyncadd.s32 $0xFFFFC000  }
0x29: {  	[hbm4b:s24+s2] =	stream.linear.scatter [tilespmem:s17], [sflag:$0x3], $0x4000, $0x38;
	[tilespmem:$0x1CC80] =	vst v63  }
0x2a: {  	_ =	swait.ge [sflag:s13], $0x4000  }
0x2b: {  	[sflag:s13] =	ssyncset.done $0x0  }
0x2c: {  	s30 =	simm.s32 $0x13980;
	[sflag:s13] =	ssyncadd.s32 $0xFFFFC000  }
0x2d: {  	[tilespmem:s17], [sflag:$0x1] =	stream.indirect.gather [spmem:s1], $0x80, s30, s16, $0xb8;
	[tilespmem:$0x1CC80] =	vst v63  }
0x2e: {  	_ =	swait.ge [sflag:s20], $0x4000  }
0x2f: {  	[sflag:s20] =	ssyncset.done $0x0  }
0x30: {  	s31 =	sadd.s32 $0x0, s11;
	[sflag:s20] =	ssyncadd.s32 $0xFFFFC000  }
0x31: {  	[hbm4b:s31+s2] =	stream.linear.scatter [tilespmem:s18], [sflag:$0x3], $0x4000, $0x38;
	[tilespmem:$0x1CC80] =	vst v63  }
0x32: {  	_ =	swait.ge [sflag:s13], $0x4000  }
0x33: {  	s24 =	simm.s32 $0x1000;
	[sflag:s13] =	ssyncset.done $0x0  }
.LBB2_2:
0x34: {  	p1 =	sne.s32 s24, $0x12000;
	[sflag:s13] =	ssyncadd.s32 $0xFFFFC000;
	s23 =	sadd.s32 $0x100, s23  }
0x35: {  	[tilespmem:s18], [sflag:$0x2] =	stream.indirect.gather [spmem:s1], $0x80, s23, s16, $0xb8;
	[tilespmem:$0x1CC80] =	vst v63  }
0x36: {  	s25 =	smov.u32 s24;
	s24 =	sadd.s32 $0x1000, s24;
	_ =	swait.ge [sflag:s19], $0x4000  }
0x37: {  	[sflag:s19] =	ssyncset.done $0x0  }
0x38: {  	s26 =	sadd.s32 s25, s10;
	[sflag:s19] =	ssyncadd.s32 $0xFFFFC000  }
0x39: {  	[hbm4b:s26+s2] =	stream.linear.scatter [tilespmem:s17], [sflag:$0x3], $0x4000, $0x38;
	[tilespmem:$0x1CC80] =	vst v63  }
0x3a: {  	_ =	swait.ge [sflag:s13], $0x4000  }
0x3b: {  	[sflag:s13] =	ssyncset.done $0x0  }
0x3c: {  	s26 =	sadd.s32 $0x80, s23;
	[sflag:s13] =	ssyncadd.s32 $0xFFFFC000  }
0x3d: {  	[tilespmem:s17], [sflag:$0x1] =	stream.indirect.gather [spmem:s1], $0x80, s26, s16, $0xb8;
	[tilespmem:$0x1CC80] =	vst v63  }
0x3e: {  	_ =	swait.ge [sflag:s20], $0x4000  }
.Ltmp0:
0x3f: {  	[sflag:s20] =	ssyncset.done $0x0;
	(pc) =	sbr.rel @p1 .LBB2_2-.Ltmp0, $4  }
0x40: {  	s25 =	sadd.s32 s25, s11;
	[sflag:s20] =	ssyncadd.s32 $0xFFFFC000  }
0x41: {  	[hbm4b:s25+s2] =	stream.linear.scatter [tilespmem:s18], [sflag:$0x3], $0x4000, $0x38;
	[tilespmem:$0x1CC80] =	vst v63  }
0x42: {  	_ =	swait.ge [sflag:s13], $0x4000  }
0x43: {  	[sflag:s13] =	ssyncset.done $0x0  }
0x44: {  	[sflag:s13] =	ssyncadd.s32 $0xFFFFC000  }
0x45: {  	[tilespmem:s18], [sflag:$0x2] =	stream.indirect.gather [spmem:s1], $0x80, s21, s16, $0xb8;
	[tilespmem:$0x1CC80] =	vst v63  }
0x46: {  	_ =	swait.ge [sflag:s19], $0x4000  }
0x47: {  	[sflag:s19] =	ssyncset.done $0x0  }
0x48: {  	[sflag:s19] =	ssyncadd.s32 $0xFFFFC000  }
0x49: {  	[hbm4b:s8+s2] =	stream.linear.scatter [tilespmem:s17], [sflag:$0x3], $0x4000, $0x38;
	[tilespmem:$0x1CC80] =	vst v63  }
0x4a: {  	_ =	swait.ge [sflag:s13], $0x4000  }
0x4b: {  	[sflag:s13] =	ssyncset.done $0x0  }
0x4c: {  	[sflag:s13] =	ssyncadd.s32 $0xFFFFC000  }
0x4d: {  	s22 =	sadd.s32 $0x1, s22;
	_ =	swait.ge [sflag:s20], $0x4000  }
0x4e: {  	p1 =	sne.s32 s22, s7;
	[sflag:s20] =	ssyncset.done $0x0  }
.Ltmp1:
0x4f: {  	[sflag:s20] =	ssyncadd.s32 $0xFFFFC000;
	(pc) =	sbr.rel @p1 .LBB2_1-.Ltmp1, $4  }
0x50: {  	[hbm4b:s9+s2] =	stream.linear.scatter [tilespmem:s18], [sflag:$0x3], $0x4000, $0x38;
	[tilespmem:$0x1CC80] =	vst v63  }
0x51: {  	_ =	swait.ge [sflag:s13], $0x4000  }
0x52: {  	[sflag:s13] =	ssyncset.done $0x0  }
0x53: {  	[sflag:s13] =	ssyncadd.s32 $0xFFFFC000  }
0x54: {  	_ =	sfence.sel $0x180000  }
0x55: {  	[bflag:$0x0] =	sbarrier.arrive $0xFFFF  }
0x56: {  	_ =	strace $0x90000047  }
0x57: {  	s0 =	sadd.s32 @!p0 $0x100000, s0;
	[bflag:$0x2] =	sbarrier.arrive $0xFFFF  }
0x58: {  	[sflag:s0] =	ssyncadd.tile.s32 @!p0 $0x1;
	_ =	shalt  }
.Lfunc_end2:
_tile_overlayer_lowered:
.L_overlay_start_2:
0x59: {  	(tag) =	ssettag $0x2  }
0x5a: {  	s0 =	rddreg [dreg:$0x0];
	s2 =	stileid.u32  }
0x5b: {  	s1 =	rddreg [dreg:$0x1];
	p0 =	sne.s32 s2, $0x0  }
0x5c: {  	s3 =	rddreg [dreg:$0x2];
	[bflag:$0x3] =	sbarrier.arrive $0xFFFF;
	s2 =	simm.s32 @!p0 $0x1C03  }
0x5d: {  	[timem:s3], [sflag:s2] =	dma.local @!p0 [hbm:s0], s1  }
0x5e: {  	s0 =	simm.s32 @!p0 $0x3  }
0x5f: {  	_ =	swait.ge @!p0 [sflag:s0], s1  }
0x60: {  	s1 =	ssub.s32 @!p0 $0x0, s1;
	[sflag:s0] =	ssyncset.done @!p0 $0x0  }
0x61: {  	[sflag:s0] =	ssyncadd.s32 @!p0 s1  }
0x62: {  	[bflag:$0x3] =	sbarrier.arrive $0xFFFF  }
0x63: {  	_ =	shalt  }

</sc_bundles>
